<compile_context>
chip_gen: v7x
topology: tpu7x:2x2x1
jax: 0.10.2.dev20260603
libtpu: 0.0.44.dev20260713+nightly
codegen_flags: <defaults>
</compile_context>

<pallas_src>
import functools

import jax
import jax.numpy as jnp
from jax import lax
from jax.experimental import pallas as pl
from jax.experimental.pallas import tpu as pltpu
from jax.experimental.pallas import tpu_sc as plsc

T, D, H, E, A = 4096, 768, 64, 14, 128
EP = 16
TILE_T = 1024
K = 3
NC, NS = 2, 16
NW = NC * NS
RPW = T // NW


def _gating_kernel(x_ref, wg1_ref, bg1_ref, wg2p_ref, bg2p_ref, w_ref):
    h = jnp.maximum(
        jnp.dot(x_ref[...], wg1_ref[...], preferred_element_type=jnp.float32)
        + bg1_ref[...], 0.0)
    logits_t = lax.dot_general(
        wg2p_ref[...], h, (((0,), (1,)), ((), ())),
        preferred_element_type=jnp.float32) + bg2p_ref[...].T
    m = jnp.max(logits_t, axis=0, keepdims=True)
    ex = jnp.exp(logits_t - m)
    w_ref[...] = (ex / jnp.sum(ex, axis=0, keepdims=True)).T


def _expert_kernel(x_ref, cb_ref, wer_ref, be_ref, y_ref):
    x = x_ref[...]
    combine = cb_ref[...][:, :E]
    acc = jnp.dot(combine, be_ref[...], preferred_element_type=jnp.float32)
    for e in range(E):
        xe = jnp.dot(x, wer_ref[e], preferred_element_type=jnp.float32)
        acc = acc + combine[:, e:e + 1] * xe
    y_ref[...] = acc


def _sc_topk(w_hbm, out_hbm, w_v, cb_v):
    wid = lax.axis_index("s") * NC + lax.axis_index("c")
    base = wid * (RPW * EP)
    pltpu.sync_copy(w_hbm.at[pl.ds(base, RPW * EP)], w_v)

    def body(t, carry):
        w = w_v[pl.ds(t * EP, EP)]
        iota = lax.broadcasted_iota(jnp.int32, (EP,), 0)
        skey, sval = plsc.sort_key_val(w, iota, descending=True)
        cb_v[pl.ds(t * EP, EP)] = jnp.zeros((EP,), jnp.float32)
        plsc.store_scatter(cb_v, [t * EP + sval], skey, mask=iota < K)
        return carry

    lax.fori_loop(0, RPW, body, 0)
    pltpu.sync_copy(cb_v, out_hbm.at[pl.ds(base, RPW * EP)])


@functools.partial(jax.jit, static_argnames=())
def _run(x, Wg1, bg1, Wg2p, bg2p, We, be):
    weights = pl.pallas_call(
        _gating_kernel,
        grid=(T // TILE_T,),
        in_specs=[
            pl.BlockSpec((TILE_T, D), lambda i: (i, 0)),
            pl.BlockSpec((D, H), lambda i: (0, 0)),
            pl.BlockSpec((1, H), lambda i: (0, 0)),
            pl.BlockSpec((H, EP), lambda i: (0, 0)),
            pl.BlockSpec((1, EP), lambda i: (0, 0)),
        ],
        out_specs=pl.BlockSpec((TILE_T, EP), lambda i: (i, 0)),
        out_shape=jax.ShapeDtypeStruct((T, EP), jnp.float32),
    )(x, Wg1, bg1, Wg2p, bg2p)

    mesh = plsc.VectorSubcoreMesh(core_axis_name="c", subcore_axis_name="s")
    comb_flat = pl.kernel(
        _sc_topk,
        mesh=mesh,
        out_type=jax.ShapeDtypeStruct((T * EP,), jnp.float32),
        scratch_types=[
            pltpu.VMEM((RPW * EP,), jnp.float32),
            pltpu.VMEM((RPW * EP,), jnp.float32),
        ],
        compiler_params=pltpu.CompilerParams(needs_layout_passes=False),
    )(weights.reshape(T * EP))

    return pl.pallas_call(
        _expert_kernel,
        grid=(T // TILE_T,),
        in_specs=[
            pl.BlockSpec((TILE_T, D), lambda i: (i, 0)),
            pl.BlockSpec((TILE_T, EP), lambda i: (i, 0)),
            pl.BlockSpec((E, D, A), lambda i: (0, 0, 0)),
            pl.BlockSpec((E, A), lambda i: (0, 0)),
        ],
        out_specs=pl.BlockSpec((TILE_T, A), lambda i: (i, 0)),
        out_shape=jax.ShapeDtypeStruct((T, A), jnp.float32),
    )(x, comb_flat.reshape(T, EP), We, be)


def kernel(x, Wg1, bg1, Wg2, bg2, We, be, top_k):
    Wg2p = jnp.pad(Wg2, ((0, 0), (0, EP - E)))
    bg2p = jnp.concatenate(
        [bg2, jnp.full((EP - E,), -1e30, jnp.float32)]).reshape(1, EP)
    return _run(x, Wg1, bg1.reshape(1, H), Wg2p, bg2p, We, be)

# --- scband reference (transcript-rebuilt; emitter-appended) ---
"""Pipeline reference for scband-hive-mind-24670292148754 (READ-ONLY COPY).

The authoritative reference and input builder live on the scoring server;
editing this copy changes nothing except your own understanding.
"""

import jax, jax.numpy as jnp
import numpy as np

# HiveMind MoE routing core: GatingNetwork (Linear->ReLU->Linear->softmax), top-k
# expert selection, scatter of routing weights into a dense combine matrix, and
# weighted combination of expert outputs (experts modeled as per-expert linear
# heads with action_dim=128, matching the dominant Agent_* action dims).

T, D, H, E, A = 4096, 768, 64, 14, 128

def setup_inputs(seed: int = 0) -> dict:
    key = jax.random.key(seed)
    ks = jax.random.split(key, 8)
    x = jax.random.normal(ks[0], (T, D), dtype=jnp.float32)
    Wg1 = jax.random.normal(ks[1], (D, H), dtype=jnp.float32) * (1.0 / np.sqrt(D))
    bg1 = jnp.zeros((H,), jnp.float32)
    Wg2 = jax.random.normal(ks[2], (H, E), dtype=jnp.float32) * (1.0 / np.sqrt(H))
    bg2 = jnp.zeros((E,), jnp.float32)
    We = jax.random.normal(ks[3], (E, D, A), dtype=jnp.float32) * (1.0 / np.sqrt(D))
    be = jnp.zeros((E, A), jnp.float32)
    return {"x": x, "Wg1": Wg1, "bg1": bg1, "Wg2": Wg2, "bg2": bg2, "We": We, "be": be, "top_k": 3}

def reference(x, Wg1, bg1, Wg2, bg2, We, be, top_k):
    # GatingNetwork.forward
    h = jax.nn.relu(x @ Wg1 + bg1)
    logits = h @ Wg2 + bg2
    weights = jax.nn.softmax(logits, axis=-1)
    # torch.topk over experts; k must be static for lax.top_k, and setup_inputs
    # always passes 3. Consume the traced top_k argument via an exact zero so
    # the input dependence remains expressed without changing the values.
    k_static = 3
    zero = jnp.asarray(top_k - top_k, weights.dtype)
    vals, idx = jax.lax.top_k(weights, k_static)
    vals = vals + zero
    Tn, En = weights.shape
    # scatter routing weights into dense combine matrix (SparseCore scatter-add)
    combine = jnp.zeros((Tn, En), x.dtype).at[jnp.arange(Tn)[:, None], idx].add(vals)
    # run experts and combine weighted outputs (inactive experts get weight 0)
    expert_out = jnp.einsum('td,edf->tef', x, We) + be[None, :, :]
    y = jnp.einsum('te,tef->tf', combine, expert_out)
    return y

if __name__ == "__main__":
    import jax
    _d = setup_inputs()
    print(jax.jit(kernel)(*tuple(_d.values())))

</pallas_src>

<mosaic_0001>
#map = affine_map<(d0, d1) -> (0)>
module attributes {stable_mosaic.version = 14 : i64} {
  func.func @_sc_topk(%arg0: i32, %arg1: i32, %arg2: memref<65536xf32, #tpu.memory_space<hbm>>, %arg3: memref<65536xf32, #tpu.memory_space<hbm>>, %arg4: memref<2048xf32, #tpu.memory_space<vmem>>, %arg5: memref<2048xf32, #tpu.memory_space<vmem>>) attributes {dimension_semantics = [#tpu.dimension_semantics<core_parallel>, #tpu.dimension_semantics<subcore_parallel>], iteration_bounds = array<i64: 2, 16>, scalar_prefetch = 0 : i64, scratch_operands = 2 : i64, tpu.core_type = #tpu.core_type<sc_vector_subcore>, window_params = [{transform_indices = #map}, {transform_indices = #map}]} {
    %mul3A = arith.constant 2 : i32
    %mul3A_0 = arith.muli %arg1, %mul3A : i32
    %add3A = arith.addi %mul3A_0, %arg0 : i32
    %mul3A_1 = arith.constant 2048 : i32
    %mul3A_2 = arith.muli %add3A, %mul3A_1 : i32
    "tpu.region"() ({
      %run_scoped3A = tpu.sem_alloc : memref<!tpu.dma_semaphore, #tpu.memory_space<semaphore_mem>>
      %dma_start3A = tpu.memref_slice %arg2[%mul3A_2] : memref<65536xf32, #tpu.memory_space<hbm>> -> memref<2048xf32, #tpu.memory_space<hbm>>
      %dma_start3A_8 = tpu.memref_slice %arg2[%mul3A_2] : memref<65536xf32, #tpu.memory_space<hbm>> -> memref<2048xf32, #tpu.memory_space<hbm>>
      tpu.enqueue_dma source(%dma_start3A_8 : memref<2048xf32, #tpu.memory_space<hbm>>) target(%arg4 : memref<2048xf32, #tpu.memory_space<vmem>>) target_semaphore(%run_scoped3A : memref<!tpu.dma_semaphore, #tpu.memory_space<semaphore_mem>>)
      %dma_wait3A = tpu.memref_slice %arg2[%mul3A_2] : memref<65536xf32, #tpu.memory_space<hbm>> -> memref<2048xf32, #tpu.memory_space<hbm>>
      %dma_wait3A_9 = tpu.memref_slice %arg2[%mul3A_2] : memref<65536xf32, #tpu.memory_space<hbm>> -> memref<2048xf32, #tpu.memory_space<hbm>>
      tpu.wait_dma2 semaphore(%run_scoped3A : memref<!tpu.dma_semaphore, #tpu.memory_space<semaphore_mem>>) src(%dma_wait3A_9 : memref<2048xf32, #tpu.memory_space<hbm>>) dst(%arg4 : memref<2048xf32, #tpu.memory_space<vmem>>)
      tpu.yield
    }) : () -> ()
    %scan3A = arith.constant 0 : i32
    %scan3A_3 = arith.constant 0 : i32
    %scan3A_4 = arith.constant 128 : i32
    %scan3A_5 = arith.addi %scan3A_3, %scan3A_4 : i32
    %scan3A_6 = arith.constant 1 : i32
    scf.for %scan3A_8 = %scan3A_3 to %scan3A_5 step %scan3A_6  : i32 {
      %mul3A_9 = arith.constant 16 : i32
      %mul3A_10 = arith.muli %scan3A_8, %mul3A_9 : i32
      %get3A = arith.index_cast %mul3A_10 : i32 to index
      %get3A_11 = tpu.vector_load %arg4[%get3A] {strides = array<i32>} : memref<2048xf32, #tpu.memory_space<vmem>>, vector<16xf32>,
      %iota3A = tpu.iota {dimensions = array<i32: 0>} : vector<16xi32>
      %masked_sort3A = arith.constant dense<true> : vector<16xi1>
      %masked_sort3A_12, %masked_sort3A_13, %masked_sort3A_14 = tpu.sort %get3A_11, %iota3A masked %masked_sort3A {descending = true} : (vector<16xf32>, vector<16xi32>, vector<16xi1>) -> (vector<16xi1>, vector<16xf32>, vector<16xi32>)
      %broadcast_in_dim3A = arith.constant 0.000000e+00 : f32
      %broadcast_in_dim3A_15 = vector.broadcast %broadcast_in_dim3A : f32 to vector<16xf32>
      %mul3A_16 = arith.constant 16 : i32
      %mul3A_17 = arith.muli %scan3A_8, %mul3A_16 : i32
      %swap3A = arith.index_cast %mul3A_17 : i32 to index
      %swap3A_18 = tpu.vector_load %arg5[%swap3A] {strides = array<i32>} : memref<2048xf32, #tpu.memory_space<vmem>>, vector<16xf32>,
      tpu.vector_store %arg5[%swap3A], %broadcast_in_dim3A_15 {strides = array<i32>} : memref<2048xf32, #tpu.memory_space<vmem>>, vector<16xf32>,
      %mul3A_19 = arith.constant 16 : i32
      %mul3A_20 = arith.muli %scan3A_8, %mul3A_19 : i32
      %add3A_21 = vector.broadcast %mul3A_20 : i32 to vector<16xi32>
      %add3A_22 = arith.addi %add3A_21, %masked_sort3A_14 : vector<16xi32>
      %lt3A = arith.constant 3 : i32
      %lt3A_23 = vector.broadcast %lt3A : i32 to vector<16xi32>
      %lt3A_24 = arith.cmpi slt, %iota3A, %lt3A_23 : vector<16xi32>
      tpu.vector_store_idx %arg5[%add3A_22], %masked_sort3A_13 masked %lt3A_24 : memref<2048xf32, #tpu.memory_space<vmem>>[vector<16xi32>], vector<16xf32>, vector<16xi1>
    }
    %scan3A_7 = arith.constant 128 : i32
    "tpu.region"() ({
      %run_scoped3A = tpu.sem_alloc : memref<!tpu.dma_semaphore, #tpu.memory_space<semaphore_mem>>
      %dma_start3A = tpu.memref_slice %arg3[%mul3A_2] : memref<65536xf32, #tpu.memory_space<hbm>> -> memref<2048xf32, #tpu.memory_space<hbm>>
      %dma_start3A_8 = tpu.memref_slice %arg3[%mul3A_2] : memref<65536xf32, #tpu.memory_space<hbm>> -> memref<2048xf32, #tpu.memory_space<hbm>>
      tpu.enqueue_dma source(%arg5 : memref<2048xf32, #tpu.memory_space<vmem>>) target(%dma_start3A_8 : memref<2048xf32, #tpu.memory_space<hbm>>) target_semaphore(%run_scoped3A : memref<!tpu.dma_semaphore, #tpu.memory_space<semaphore_mem>>)
      %dma_wait3A = tpu.memref_slice %arg3[%mul3A_2] : memref<65536xf32, #tpu.memory_space<hbm>> -> memref<2048xf32, #tpu.memory_space<hbm>>
      %dma_wait3A_9 = tpu.memref_slice %arg3[%mul3A_2] : memref<65536xf32, #tpu.memory_space<hbm>> -> memref<2048xf32, #tpu.memory_space<hbm>>
      tpu.wait_dma2 semaphore(%run_scoped3A : memref<!tpu.dma_semaphore, #tpu.memory_space<semaphore_mem>>) src(%arg5 : memref<2048xf32, #tpu.memory_space<vmem>>) dst(%dma_wait3A_9 : memref<2048xf32, #tpu.memory_space<hbm>>)
      tpu.yield
    }) : () -> ()
    return
  }
}

module attributes {stable_mosaic.version = 14 : i64} {
  func.func @_gating_kernel(%arg0: i32, %arg1: memref<1024x768xf32, #tpu.memory_space<vmem>>, %arg2: memref<768x64xf32, #tpu.memory_space<vmem>>, %arg3: memref<1x64xf32, #tpu.memory_space<vmem>>, %arg4: memref<64x16xf32, #tpu.memory_space<vmem>>, %arg5: memref<1x16xf32, #tpu.memory_space<vmem>>, %arg6: memref<1024x16xf32, #tpu.memory_space<vmem>>) attributes {dimension_semantics = [#tpu.dimension_semantics<arbitrary>], iteration_bounds = array<i64: 4>, scalar_prefetch = 0 : i64, scratch_operands = 0 : i64, tpu.core_type = #tpu.core_type<tc>, window_params = [{transform_indices = @transform_0, window_bounds = array<i64: 1024, 768>}, {pipeline_mode = #tpu.pipeline_mode<synchronous>, transform_indices = @transform_1, window_bounds = array<i64: 768, 64>}, {pipeline_mode = #tpu.pipeline_mode<synchronous>, transform_indices = @transform_2, window_bounds = array<i64: 1, 64>}, {pipeline_mode = #tpu.pipeline_mode<synchronous>, transform_indices = @transform_3, window_bounds = array<i64: 64, 16>}, {pipeline_mode = #tpu.pipeline_mode<synchronous>, transform_indices = @transform_4, window_bounds = array<i64: 1, 16>}, {transform_indices = @transform_5, window_bounds = array<i64: 1024, 16>}]} {
    %get3A = arith.constant 0 : index
    %get3A_0 = arith.constant 0 : index
    %get3A_1 = vector.load %arg1[%get3A, %get3A_0] : memref<1024x768xf32, #tpu.memory_space<vmem>>, vector<1024x768xf32>
    %get3A_2 = arith.constant 0 : index
    %get3A_3 = arith.constant 0 : index
    %get3A_4 = vector.load %arg2[%get3A_2, %get3A_3] : memref<768x64xf32, #tpu.memory_space<vmem>>, vector<768x64xf32>
    %dot_general3A = arith.constant dense<0.000000e+00> : vector<1024x64xf32>
    %dot_general3A_5 = tpu.matmul %get3A_1, %get3A_4, %dot_general3A {dimension_numbers = #tpu.dot_dimension_numbers<[1], [0], [0], [1], [0, 0, 1, 1], [], []>, transpose_lhs_hint = false} : vector<1024x768xf32>, vector<768x64xf32>, vector<1024x64xf32> -> vector<1024x64xf32>
    %get3A_6 = arith.constant 0 : index
    %get3A_7 = arith.constant 0 : index
    %get3A_8 = vector.load %arg3[%get3A_6, %get3A_7] : memref<1x64xf32, #tpu.memory_space<vmem>>, vector<1x64xf32>
    %add3A = vector.broadcast %get3A_8 : vector<1x64xf32> to vector<1024x64xf32>
    %add3A_9 = arith.addf %dot_general3A_5, %add3A : vector<1024x64xf32>
    %max3A = arith.constant 0.000000e+00 : f32
    %max3A_10 = vector.broadcast %max3A : f32 to vector<1024x64xf32>
    %max3A_11 = arith.maximumf %add3A_9, %max3A_10 : vector<1024x64xf32>
    %get3A_12 = arith.constant 0 : index
    %get3A_13 = arith.constant 0 : index
    %get3A_14 = vector.load %arg4[%get3A_12, %get3A_13] : memref<64x16xf32, #tpu.memory_space<vmem>>, vector<64x16xf32>
    %dot_general3A_15 = arith.constant dense<0.000000e+00> : vector<16x1024xf32>
    %dot_general3A_16 = tpu.matmul %get3A_14, %max3A_11, %dot_general3A_15 {dimension_numbers = #tpu.dot_dimension_numbers<[0], [1], [1], [0], [0, 1, 1, 0], [], []>, transpose_lhs_hint = false} : vector<64x16xf32>, vector<1024x64xf32>, vector<16x1024xf32> -> vector<16x1024xf32>
    %get3A_17 = arith.constant 0 : index
    %get3A_18 = arith.constant 0 : index
    %get3A_19 = vector.load %arg5[%get3A_17, %get3A_18] : memref<1x16xf32, #tpu.memory_space<vmem>>, vector<1x16xf32>
    %transpose3A = tpu.transpose %get3A_19, [1, 0] : vector<1x16xf32> -> vector<16x1xf32>
    %add3A_20 = vector.broadcast %transpose3A : vector<16x1xf32> to vector<16x1024xf32>
    %add3A_21 = arith.addf %dot_general3A_16, %add3A_20 : vector<16x1024xf32>
    %reduce_max3A = arith.constant dense<0xFF800000> : vector<1024xf32>
    %reduce_max3A_22 = vector.multi_reduction <maximumf>, %add3A_21, %reduce_max3A [0] : vector<16x1024xf32> to vector<1024xf32>
    %broadcast_in_dim3A = vector.shape_cast %reduce_max3A_22 : vector<1024xf32> to vector<1x1024xf32>
    %sub3A = vector.broadcast %broadcast_in_dim3A : vector<1x1024xf32> to vector<16x1024xf32>
    %sub3A_23 = arith.subf %add3A_21, %sub3A : vector<16x1024xf32>
    %exp3A = math.exp %sub3A_23 : vector<16x1024xf32>
    %reduce_sum3A = arith.constant dense<0.000000e+00> : vector<1024xf32>
    %reduce_sum3A_24 = vector.multi_reduction <add>, %exp3A, %reduce_sum3A [0] : vector<16x1024xf32> to vector<1024xf32>
    %broadcast_in_dim3A_25 = vector.shape_cast %reduce_sum3A_24 : vector<1024xf32> to vector<1x1024xf32>
    %div3A = vector.broadcast %broadcast_in_dim3A_25 : vector<1x1024xf32> to vector<16x1024xf32>
    %div3A_26 = arith.divf %exp3A, %div3A : vector<16x1024xf32>
    %transpose3A_27 = tpu.transpose %div3A_26, [1, 0] : vector<16x1024xf32> -> vector<1024x16xf32>
    %swap3A = arith.constant 0 : index
    %swap3A_28 = arith.constant 0 : index
    %swap3A_29 = vector.load %arg6[%swap3A, %swap3A_28] : memref<1024x16xf32, #tpu.memory_space<vmem>>, vector<1024x16xf32>
    tpu.vector_store %arg6[%swap3A, %swap3A_28], %transpose3A_27 {strides = array<i32>} : memref<1024x16xf32, #tpu.memory_space<vmem>>, vector<1024x16xf32>,
    return
  }
  func.func @transform_0(%arg0: i32) -> (i32, i32) {
    %c0_i32 = arith.constant 0 : i32
    %c0_i32_0 = arith.constant 0 : i32
    return %arg0, %c0_i32 : i32, i32
  }
  func.func @transform_1(%arg0: i32) -> (i32, i32) {
    %c0_i32 = arith.constant 0 : i32
    %c0_i32_0 = arith.constant 0 : i32
    %c0_i32_1 = arith.constant 0 : i32
    return %c0_i32, %c0_i32_0 : i32, i32
  }
  func.func @transform_2(%arg0: i32) -> (i32, i32) {
    %c0_i32 = arith.constant 0 : i32
    %c0_i32_0 = arith.constant 0 : i32
    %c0_i32_1 = arith.constant 0 : i32
    return %c0_i32, %c0_i32_0 : i32, i32
  }
  func.func @transform_3(%arg0: i32) -> (i32, i32) {
    %c0_i32 = arith.constant 0 : i32
    %c0_i32_0 = arith.constant 0 : i32
    %c0_i32_1 = arith.constant 0 : i32
    return %c0_i32, %c0_i32_0 : i32, i32
  }
  func.func @transform_4(%arg0: i32) -> (i32, i32) {
    %c0_i32 = arith.constant 0 : i32
    %c0_i32_0 = arith.constant 0 : i32
    %c0_i32_1 = arith.constant 0 : i32
    return %c0_i32, %c0_i32_0 : i32, i32
  }
  func.func @transform_5(%arg0: i32) -> (i32, i32) {
    %c0_i32 = arith.constant 0 : i32
    %c0_i32_0 = arith.constant 0 : i32
    return %arg0, %c0_i32 : i32, i32
  }
}

module attributes {stable_mosaic.version = 14 : i64} {
  func.func @_expert_kernel(%arg0: i32, %arg1: memref<1024x768xf32, #tpu.memory_space<vmem>>, %arg2: memref<1024x16xf32, #tpu.memory_space<vmem>>, %arg3: memref<14x768x128xf32, #tpu.memory_space<vmem>>, %arg4: memref<14x128xf32, #tpu.memory_space<vmem>>, %arg5: memref<1024x128xf32, #tpu.memory_space<vmem>>) attributes {dimension_semantics = [#tpu.dimension_semantics<arbitrary>], iteration_bounds = array<i64: 4>, scalar_prefetch = 0 : i64, scratch_operands = 0 : i64, tpu.core_type = #tpu.core_type<tc>, window_params = [{transform_indices = @transform_0, window_bounds = array<i64: 1024, 768>}, {transform_indices = @transform_1, window_bounds = array<i64: 1024, 16>}, {pipeline_mode = #tpu.pipeline_mode<synchronous>, transform_indices = @transform_2, window_bounds = array<i64: 14, 768, 128>}, {pipeline_mode = #tpu.pipeline_mode<synchronous>, transform_indices = @transform_3, window_bounds = array<i64: 14, 128>}, {transform_indices = @transform_4, window_bounds = array<i64: 1024, 128>}]} {
    %get3A = arith.constant 0 : index
    %get3A_0 = arith.constant 0 : index
    %get3A_1 = vector.load %arg1[%get3A, %get3A_0] : memref<1024x768xf32, #tpu.memory_space<vmem>>, vector<1024x768xf32>
    %get3A_2 = arith.constant 0 : index
    %get3A_3 = arith.constant 0 : index
    %get3A_4 = vector.load %arg2[%get3A_2, %get3A_3] : memref<1024x16xf32, #tpu.memory_space<vmem>>, vector<1024x16xf32>
    %slice3A = vector.extract_strided_slice %get3A_4 {offsets = [0, 0], sizes = [1024, 14], strides = [1, 1]} : vector<1024x16xf32> to vector<1024x14xf32>
    %get3A_5 = arith.constant 0 : index
    %get3A_6 = arith.constant 0 : index
    %get3A_7 = vector.load %arg4[%get3A_5, %get3A_6] : memref<14x128xf32, #tpu.memory_space<vmem>>, vector<14x128xf32>
    %dot_general3A = arith.constant dense<0.000000e+00> : vector<1024x128xf32>
    %dot_general3A_8 = tpu.matmul %slice3A, %get3A_7, %dot_general3A {dimension_numbers = #tpu.dot_dimension_numbers<[1], [0], [0], [1], [0, 0, 1, 1], [], []>, transpose_lhs_hint = false} : vector<1024x14xf32>, vector<14x128xf32>, vector<1024x128xf32> -> vector<1024x128xf32>
    %get3A_9 = arith.constant 0 : index
    %get3A_10 = arith.constant 0 : index
    %get3A_11 = arith.constant 0 : index
    %get3A_12 = vector.load %arg3[%get3A_9, %get3A_10, %get3A_11] : memref<14x768x128xf32, #tpu.memory_space<vmem>>, vector<1x768x128xf32>
    %get3A_13 = vector.shape_cast %get3A_12 : vector<1x768x128xf32> to vector<768x128xf32>
    %dot_general3A_14 = arith.constant dense<0.000000e+00> : vector<1024x128xf32>
    %dot_general3A_15 = tpu.matmul %get3A_1, %get3A_13, %dot_general3A_14 {dimension_numbers = #tpu.dot_dimension_numbers<[1], [0], [0], [1], [0, 0, 1, 1], [], []>, transpose_lhs_hint = false} : vector<1024x768xf32>, vector<768x128xf32>, vector<1024x128xf32> -> vector<1024x128xf32>
    %slice3A_16 = vector.extract_strided_slice %slice3A {offsets = [0, 0], sizes = [1024, 1], strides = [1, 1]} : vector<1024x14xf32> to vector<1024x1xf32>
    %mul3A = vector.broadcast %slice3A_16 : vector<1024x1xf32> to vector<1024x128xf32>
    %mul3A_17 = arith.mulf %mul3A, %dot_general3A_15 : vector<1024x128xf32>
    %add3A = arith.addf %dot_general3A_8, %mul3A_17 : vector<1024x128xf32>
    %get3A_18 = arith.constant 1 : index
    %get3A_19 = arith.constant 0 : index
    %get3A_20 = arith.constant 0 : index
    %get3A_21 = vector.load %arg3[%get3A_18, %get3A_19, %get3A_20] : memref<14x768x128xf32, #tpu.memory_space<vmem>>, vector<1x768x128xf32>
    %get3A_22 = vector.shape_cast %get3A_21 : vector<1x768x128xf32> to vector<768x128xf32>
    %dot_general3A_23 = arith.constant dense<0.000000e+00> : vector<1024x128xf32>
    %dot_general3A_24 = tpu.matmul %get3A_1, %get3A_22, %dot_general3A_23 {dimension_numbers = #tpu.dot_dimension_numbers<[1], [0], [0], [1], [0, 0, 1, 1], [], []>, transpose_lhs_hint = false} : vector<1024x768xf32>, vector<768x128xf32>, vector<1024x128xf32> -> vector<1024x128xf32>
    %slice3A_25 = vector.extract_strided_slice %slice3A {offsets = [0, 1], sizes = [1024, 1], strides = [1, 1]} : vector<1024x14xf32> to vector<1024x1xf32>
    %mul3A_26 = vector.broadcast %slice3A_25 : vector<1024x1xf32> to vector<1024x128xf32>
    %mul3A_27 = arith.mulf %mul3A_26, %dot_general3A_24 : vector<1024x128xf32>
    %add3A_28 = arith.addf %add3A, %mul3A_27 : vector<1024x128xf32>
    %get3A_29 = arith.constant 2 : index
    %get3A_30 = arith.constant 0 : index
    %get3A_31 = arith.constant 0 : index
    %get3A_32 = vector.load %arg3[%get3A_29, %get3A_30, %get3A_31] : memref<14x768x128xf32, #tpu.memory_space<vmem>>, vector<1x768x128xf32>
    %get3A_33 = vector.shape_cast %get3A_32 : vector<1x768x128xf32> to vector<768x128xf32>
    %dot_general3A_34 = arith.constant dense<0.000000e+00> : vector<1024x128xf32>
    %dot_general3A_35 = tpu.matmul %get3A_1, %get3A_33, %dot_general3A_34 {dimension_numbers = #tpu.dot_dimension_numbers<[1], [0], [0], [1], [0, 0, 1, 1], [], []>, transpose_lhs_hint = false} : vector<1024x768xf32>, vector<768x128xf32>, vector<1024x128xf32> -> vector<1024x128xf32>
    %slice3A_36 = vector.extract_strided_slice %slice3A {offsets = [0, 2], sizes = [1024, 1], strides = [1, 1]} : vector<1024x14xf32> to vector<1024x1xf32>
    %mul3A_37 = vector.broadcast %slice3A_36 : vector<1024x1xf32> to vector<1024x128xf32>
    %mul3A_38 = arith.mulf %mul3A_37, %dot_general3A_35 : vector<1024x128xf32>
    %add3A_39 = arith.addf %add3A_28, %mul3A_38 : vector<1024x128xf32>
    %get3A_40 = arith.constant 3 : index
    %get3A_41 = arith.constant 0 : index
    %get3A_42 = arith.constant 0 : index
    %get3A_43 = vector.load %arg3[%get3A_40, %get3A_41, %get3A_42] : memref<14x768x128xf32, #tpu.memory_space<vmem>>, vector<1x768x128xf32>
    %get3A_44 = vector.shape_cast %get3A_43 : vector<1x768x128xf32> to vector<768x128xf32>
    %dot_general3A_45 = arith.constant dense<0.000000e+00> : vector<1024x128xf32>
    %dot_general3A_46 = tpu.matmul %get3A_1, %get3A_44, %dot_general3A_45 {dimension_numbers = #tpu.dot_dimension_numbers<[1], [0], [0], [1], [0, 0, 1, 1], [], []>, transpose_lhs_hint = false} : vector<1024x768xf32>, vector<768x128xf32>, vector<1024x128xf32> -> vector<1024x128xf32>
    %slice3A_47 = vector.extract_strided_slice %slice3A {offsets = [0, 3], sizes = [1024, 1], strides = [1, 1]} : vector<1024x14xf32> to vector<1024x1xf32>
    %mul3A_48 = vector.broadcast %slice3A_47 : vector<1024x1xf32> to vector<1024x128xf32>
    %mul3A_49 = arith.mulf %mul3A_48, %dot_general3A_46 : vector<1024x128xf32>
    %add3A_50 = arith.addf %add3A_39, %mul3A_49 : vector<1024x128xf32>
    %get3A_51 = arith.constant 4 : index
    %get3A_52 = arith.constant 0 : index
    %get3A_53 = arith.constant 0 : index
    %get3A_54 = vector.load %arg3[%get3A_51, %get3A_52, %get3A_53] : memref<14x768x128xf32, #tpu.memory_space<vmem>>, vector<1x768x128xf32>
    %get3A_55 = vector.shape_cast %get3A_54 : vector<1x768x128xf32> to vector<768x128xf32>
    %dot_general3A_56 = arith.constant dense<0.000000e+00> : vector<1024x128xf32>
    %dot_general3A_57 = tpu.matmul %get3A_1, %get3A_55, %dot_general3A_56 {dimension_numbers = #tpu.dot_dimension_numbers<[1], [0], [0], [1], [0, 0, 1, 1], [], []>, transpose_lhs_hint = false} : vector<1024x768xf32>, vector<768x128xf32>, vector<1024x128xf32> -> vector<1024x128xf32>
    %slice3A_58 = vector.extract_strided_slice %slice3A {offsets = [0, 4], sizes = [1024, 1], strides = [1, 1]} : vector<1024x14xf32> to vector<1024x1xf32>
    %mul3A_59 = vector.broadcast %slice3A_58 : vector<1024x1xf32> to vector<1024x128xf32>
    %mul3A_60 = arith.mulf %mul3A_59, %dot_general3A_57 : vector<1024x128xf32>
    %add3A_61 = arith.addf %add3A_50, %mul3A_60 : vector<1024x128xf32>
    %get3A_62 = arith.constant 5 : index
    %get3A_63 = arith.constant 0 : index
    %get3A_64 = arith.constant 0 : index
    %get3A_65 = vector.load %arg3[%get3A_62, %get3A_63, %get3A_64] : memref<14x768x128xf32, #tpu.memory_space<vmem>>, vector<1x768x128xf32>
    %get3A_66 = vector.shape_cast %get3A_65 : vector<1x768x128xf32> to vector<768x128xf32>
    %dot_general3A_67 = arith.constant dense<0.000000e+00> : vector<1024x128xf32>
    %dot_general3A_68 = tpu.matmul %get3A_1, %get3A_66, %dot_general3A_67 {dimension_numbers = #tpu.dot_dimension_numbers<[1], [0], [0], [1], [0, 0, 1, 1], [], []>, transpose_lhs_hint = false} : vector<1024x768xf32>, vector<768x128xf32>, vector<1024x128xf32> -> vector<1024x128xf32>
    %slice3A_69 = vector.extract_strided_slice %slice3A {offsets = [0, 5], sizes = [1024, 1], strides = [1, 1]} : vector<1024x14xf32> to vector<1024x1xf32>
    %mul3A_70 = vector.broadcast %slice3A_69 : vector<1024x1xf32> to vector<1024x128xf32>
    %mul3A_71 = arith.mulf %mul3A_70, %dot_general3A_68 : vector<1024x128xf32>
    %add3A_72 = arith.addf %add3A_61, %mul3A_71 : vector<1024x128xf32>
    %get3A_73 = arith.constant 6 : index
    %get3A_74 = arith.constant 0 : index
    %get3A_75 = arith.constant 0 : index
    %get3A_76 = vector.load %arg3[%get3A_73, %get3A_74, %get3A_75] : memref<14x768x128xf32, #tpu.memory_space<vmem>>, vector<1x768x128xf32>
    %get3A_77 = vector.shape_cast %get3A_76 : vector<1x768x128xf32> to vector<768x128xf32>
    %dot_general3A_78 = arith.constant dense<0.000000e+00> : vector<1024x128xf32>
    %dot_general3A_79 = tpu.matmul %get3A_1, %get3A_77, %dot_general3A_78 {dimension_numbers = #tpu.dot_dimension_numbers<[1], [0], [0], [1], [0, 0, 1, 1], [], []>, transpose_lhs_hint = false} : vector<1024x768xf32>, vector<768x128xf32>, vector<1024x128xf32> -> vector<1024x128xf32>
    %slice3A_80 = vector.extract_strided_slice %slice3A {offsets = [0, 6], sizes = [1024, 1], strides = [1, 1]} : vector<1024x14xf32> to vector<1024x1xf32>
    %mul3A_81 = vector.broadcast %slice3A_80 : vector<1024x1xf32> to vector<1024x128xf32>
    %mul3A_82 = arith.mulf %mul3A_81, %dot_general3A_79 : vector<1024x128xf32>
    %add3A_83 = arith.addf %add3A_72, %mul3A_82 : vector<1024x128xf32>
    %get3A_84 = arith.constant 7 : index
    %get3A_85 = arith.constant 0 : index
    %get3A_86 = arith.constant 0 : index
    %get3A_87 = vector.load %arg3[%get3A_84, %get3A_85, %get3A_86] : memref<14x768x128xf32, #tpu.memory_space<vmem>>, vector<1x768x128xf32>
    %get3A_88 = vector.shape_cast %get3A_87 : vector<1x768x128xf32> to vector<768x128xf32>
    %dot_general3A_89 = arith.constant dense<0.000000e+00> : vector<1024x128xf32>
    %dot_general3A_90 = tpu.matmul %get3A_1, %get3A_88, %dot_general3A_89 {dimension_numbers = #tpu.dot_dimension_numbers<[1], [0], [0], [1], [0, 0, 1, 1], [], []>, transpose_lhs_hint = false} : vector<1024x768xf32>, vector<768x128xf32>, vector<1024x128xf32> -> vector<1024x128xf32>
    %slice3A_91 = vector.extract_strided_slice %slice3A {offsets = [0, 7], sizes = [1024, 1], strides = [1, 1]} : vector<1024x14xf32> to vector<1024x1xf32>
    %mul3A_92 = vector.broadcast %slice3A_91 : vector<1024x1xf32> to vector<1024x128xf32>
    %mul3A_93 = arith.mulf %mul3A_92, %dot_general3A_90 : vector<1024x128xf32>
    %add3A_94 = arith.addf %add3A_83, %mul3A_93 : vector<1024x128xf32>
    %get3A_95 = arith.constant 8 : index
    %get3A_96 = arith.constant 0 : index
    %get3A_97 = arith.constant 0 : index
    %get3A_98 = vector.load %arg3[%get3A_95, %get3A_96, %get3A_97] : memref<14x768x128xf32, #tpu.memory_space<vmem>>, vector<1x768x128xf32>
    %get3A_99 = vector.shape_cast %get3A_98 : vector<1x768x128xf32> to vector<768x128xf32>
    %dot_general3A_100 = arith.constant dense<0.000000e+00> : vector<1024x128xf32>
    %dot_general3A_101 = tpu.matmul %get3A_1, %get3A_99, %dot_general3A_100 {dimension_numbers = #tpu.dot_dimension_numbers<[1], [0], [0], [1], [0, 0, 1, 1], [], []>, transpose_lhs_hint = false} : vector<1024x768xf32>, vector<768x128xf32>, vector<1024x128xf32> -> vector<1024x128xf32>
    %slice3A_102 = vector.extract_strided_slice %slice3A {offsets = [0, 8], sizes = [1024, 1], strides = [1, 1]} : vector<1024x14xf32> to vector<1024x1xf32>
    %mul3A_103 = vector.broadcast %slice3A_102 : vector<1024x1xf32> to vector<1024x128xf32>
    %mul3A_104 = arith.mulf %mul3A_103, %dot_general3A_101 : vector<1024x128xf32>
    %add3A_105 = arith.addf %add3A_94, %mul3A_104 : vector<1024x128xf32>
    %get3A_106 = arith.constant 9 : index
    %get3A_107 = arith.constant 0 : index
    %get3A_108 = arith.constant 0 : index
    %get3A_109 = vector.load %arg3[%get3A_106, %get3A_107, %get3A_108] : memref<14x768x128xf32, #tpu.memory_space<vmem>>, vector<1x768x128xf32>
    %get3A_110 = vector.shape_cast %get3A_109 : vector<1x768x128xf32> to vector<768x128xf32>
    %dot_general3A_111 = arith.constant dense<0.000000e+00> : vector<1024x128xf32>
    %dot_general3A_112 = tpu.matmul %get3A_1, %get3A_110, %dot_general3A_111 {dimension_numbers = #tpu.dot_dimension_numbers<[1], [0], [0], [1], [0, 0, 1, 1], [], []>, transpose_lhs_hint = false} : vector<1024x768xf32>, vector<768x128xf32>, vector<1024x128xf32> -> vector<1024x128xf32>
    %slice3A_113 = vector.extract_strided_slice %slice3A {offsets = [0, 9], sizes = [1024, 1], strides = [1, 1]} : vector<1024x14xf32> to vector<1024x1xf32>
    %mul3A_114 = vector.broadcast %slice3A_113 : vector<1024x1xf32> to vector<1024x128xf32>
    %mul3A_115 = arith.mulf %mul3A_114, %dot_general3A_112 : vector<1024x128xf32>
    %add3A_116 = arith.addf %add3A_105, %mul3A_115 : vector<1024x128xf32>
    %get3A_117 = arith.constant 10 : index
    %get3A_118 = arith.constant 0 : index
    %get3A_119 = arith.constant 0 : index
    %get3A_120 = vector.load %arg3[%get3A_117, %get3A_118, %get3A_119] : memref<14x768x128xf32, #tpu.memory_space<vmem>>, vector<1x768x128xf32>
    %get3A_121 = vector.shape_cast %get3A_120 : vector<1x768x128xf32> to vector<768x128xf32>
    %dot_general3A_122 = arith.constant dense<0.000000e+00> : vector<1024x128xf32>
    %dot_general3A_123 = tpu.matmul %get3A_1, %get3A_121, %dot_general3A_122 {dimension_numbers = #tpu.dot_dimension_numbers<[1], [0], [0], [1], [0, 0, 1, 1], [], []>, transpose_lhs_hint = false} : vector<1024x768xf32>, vector<768x128xf32>, vector<1024x128xf32> -> vector<1024x128xf32>
    %slice3A_124 = vector.extract_strided_slice %slice3A {offsets = [0, 10], sizes = [1024, 1], strides = [1, 1]} : vector<1024x14xf32> to vector<1024x1xf32>
    %mul3A_125 = vector.broadcast %slice3A_124 : vector<1024x1xf32> to vector<1024x128xf32>
    %mul3A_126 = arith.mulf %mul3A_125, %dot_general3A_123 : vector<1024x128xf32>
    %add3A_127 = arith.addf %add3A_116, %mul3A_126 : vector<1024x128xf32>
    %get3A_128 = arith.constant 11 : index
    %get3A_129 = arith.constant 0 : index
    %get3A_130 = arith.constant 0 : index
    %get3A_131 = vector.load %arg3[%get3A_128, %get3A_129, %get3A_130] : memref<14x768x128xf32, #tpu.memory_space<vmem>>, vector<1x768x128xf32>
    %get3A_132 = vector.shape_cast %get3A_131 : vector<1x768x128xf32> to vector<768x128xf32>
    %dot_general3A_133 = arith.constant dense<0.000000e+00> : vector<1024x128xf32>
    %dot_general3A_134 = tpu.matmul %get3A_1, %get3A_132, %dot_general3A_133 {dimension_numbers = #tpu.dot_dimension_numbers<[1], [0], [0], [1], [0, 0, 1, 1], [], []>, transpose_lhs_hint = false} : vector<1024x768xf32>, vector<768x128xf32>, vector<1024x128xf32> -> vector<1024x128xf32>
    %slice3A_135 = vector.extract_strided_slice %slice3A {offsets = [0, 11], sizes = [1024, 1], strides = [1, 1]} : vector<1024x14xf32> to vector<1024x1xf32>
    %mul3A_136 = vector.broadcast %slice3A_135 : vector<1024x1xf32> to vector<1024x128xf32>
    %mul3A_137 = arith.mulf %mul3A_136, %dot_general3A_134 : vector<1024x128xf32>
    %add3A_138 = arith.addf %add3A_127, %mul3A_137 : vector<1024x128xf32>
    %get3A_139 = arith.constant 12 : index
    %get3A_140 = arith.constant 0 : index
    %get3A_141 = arith.constant 0 : index
    %get3A_142 = vector.load %arg3[%get3A_139, %get3A_140, %get3A_141] : memref<14x768x128xf32, #tpu.memory_space<vmem>>, vector<1x768x128xf32>
    %get3A_143 = vector.shape_cast %get3A_142 : vector<1x768x128xf32> to vector<768x128xf32>
    %dot_general3A_144 = arith.constant dense<0.000000e+00> : vector<1024x128xf32>
    %dot_general3A_145 = tpu.matmul %get3A_1, %get3A_143, %dot_general3A_144 {dimension_numbers = #tpu.dot_dimension_numbers<[1], [0], [0], [1], [0, 0, 1, 1], [], []>, transpose_lhs_hint = false} : vector<1024x768xf32>, vector<768x128xf32>, vector<1024x128xf32> -> vector<1024x128xf32>
    %slice3A_146 = vector.extract_strided_slice %slice3A {offsets = [0, 12], sizes = [1024, 1], strides = [1, 1]} : vector<1024x14xf32> to vector<1024x1xf32>
    %mul3A_147 = vector.broadcast %slice3A_146 : vector<1024x1xf32> to vector<1024x128xf32>
    %mul3A_148 = arith.mulf %mul3A_147, %dot_general3A_145 : vector<1024x128xf32>
    %add3A_149 = arith.addf %add3A_138, %mul3A_148 : vector<1024x128xf32>
    %get3A_150 = arith.constant 13 : index
    %get3A_151 = arith.constant 0 : index
    %get3A_152 = arith.constant 0 : index
    %get3A_153 = vector.load %arg3[%get3A_150, %get3A_151, %get3A_152] : memref<14x768x128xf32, #tpu.memory_space<vmem>>, vector<1x768x128xf32>
    %get3A_154 = vector.shape_cast %get3A_153 : vector<1x768x128xf32> to vector<768x128xf32>
    %dot_general3A_155 = arith.constant dense<0.000000e+00> : vector<1024x128xf32>
    %dot_general3A_156 = tpu.matmul %get3A_1, %get3A_154, %dot_general3A_155 {dimension_numbers = #tpu.dot_dimension_numbers<[1], [0], [0], [1], [0, 0, 1, 1], [], []>, transpose_lhs_hint = false} : vector<1024x768xf32>, vector<768x128xf32>, vector<1024x128xf32> -> vector<1024x128xf32>
    %slice3A_157 = vector.extract_strided_slice %slice3A {offsets = [0, 13], sizes = [1024, 1], strides = [1, 1]} : vector<1024x14xf32> to vector<1024x1xf32>
    %mul3A_158 = vector.broadcast %slice3A_157 : vector<1024x1xf32> to vector<1024x128xf32>
    %mul3A_159 = arith.mulf %mul3A_158, %dot_general3A_156 : vector<1024x128xf32>
    %add3A_160 = arith.addf %add3A_149, %mul3A_159 : vector<1024x128xf32>
    %swap3A = arith.constant 0 : index
    %swap3A_161 = arith.constant 0 : index
    %swap3A_162 = vector.load %arg5[%swap3A, %swap3A_161] : memref<1024x128xf32, #tpu.memory_space<vmem>>, vector<1024x128xf32>
    tpu.vector_store %arg5[%swap3A, %swap3A_161], %add3A_160 {strides = array<i32>} : memref<1024x128xf32, #tpu.memory_space<vmem>>, vector<1024x128xf32>,
    return
  }
  func.func @transform_0(%arg0: i32) -> (i32, i32) {
    %c0_i32 = arith.constant 0 : i32
    %c0_i32_0 = arith.constant 0 : i32
    return %arg0, %c0_i32 : i32, i32
  }
  func.func @transform_1(%arg0: i32) -> (i32, i32) {
    %c0_i32 = arith.constant 0 : i32
    %c0_i32_0 = arith.constant 0 : i32
    return %arg0, %c0_i32 : i32, i32
  }
  func.func @transform_2(%arg0: i32) -> (i32, i32, i32) {
    %c0_i32 = arith.constant 0 : i32
    %c0_i32_0 = arith.constant 0 : i32
    %c0_i32_1 = arith.constant 0 : i32
    %c0_i32_2 = arith.constant 0 : i32
    return %c0_i32, %c0_i32_0, %c0_i32_1 : i32, i32, i32
  }
  func.func @transform_3(%arg0: i32) -> (i32, i32) {
    %c0_i32 = arith.constant 0 : i32
    %c0_i32_0 = arith.constant 0 : i32
    %c0_i32_1 = arith.constant 0 : i32
    return %c0_i32, %c0_i32_0 : i32, i32
  }
  func.func @transform_4(%arg0: i32) -> (i32, i32) {
    %c0_i32 = arith.constant 0 : i32
    %c0_i32_0 = arith.constant 0 : i32
    return %arg0, %c0_i32 : i32, i32
  }
}

</mosaic_0001>

<sc_bundles>
// kernel: _run.5.cloned.1.call-start
scs
__scs_entry_jumppad:
0x0: {  	(pc) =	sbr.rel $0x88, $3  }
0x1: {  	(tag) =	ssettag $0x0;
	lr =	simm.s32 $0x1  }
0x2: {  	[smem:$0x3F9A] =	sst lr;
	_ =	strace $0xD0000000  }
0x3: {  	_ = 	snop  }
0x4: {  	_ = 	snop  }
0x5: {  	_ = 	snop  }
0x6: {  	_ = 	snop  }
0x7: {  	_ = 	snop  }
__scs_overlays_trampoline_lowered:
0x8: {  	[smem:$0x3FA9] =	sst s0  }
0x9: {  	[smem:$0x3FAA] =	sst s1  }
0xa: {  	[smem:$0x3FAB] =	sst s2  }
0xb: {  	[smem:$0x3FAC] =	sst s3  }
0xc: {  	[smem:$0x3FAD] =	sst s4  }
0xd: {  	[smem:$0x3FAE] =	sst s5  }
0xe: {  	[smem:$0x3FAF] =	sst s6  }
0xf: {  	[smem:$0x3FB0] =	sst s7  }
0x10: {  	[smem:$0x3FB1] =	sst s8  }
0x11: {  	[smem:$0x3FB2] =	sst s9;
	s0 =	simm.s32 @!p0 $0x0  }
0x12: {  	s1 =	sld [smem:$0x3F98];
	s0 =	simm.s32 @p0 $0x1  }
0x13: {  	[smem:$0x3FB3] =	sst s0;
	s0 =	simm.s32 @!p1 $0x0  }
0x14: {  	s2 =	sld [smem:$0x3F97];
	s0 =	simm.s32 @p1 $0x1  }
0x15: {  	[smem:$0x3FB4] =	sst s0;
	s0 =	simm.s32 @!p2 $0x0  }
0x16: {  	s3 =	sld [smem:$0x3FDB];
	s0 =	simm.s32 @p2 $0x1  }
0x17: {  	s4 =	simm.s32 $0x1BF5;
	[smem:$0x3FB6] =	sst s0  }
0x18: {  	s0 =	sld [smem:$0x3F99];
	_ =	swait.ge [sflag:s4], $0x0  }
0x19: {  	s7 =	sld [smem:$0x3F9A]  }
0x1a: {  	s8 =	sadd.s32 $0xFFFFE003, lr  }
0x1b: {  	s9 =	sadd.s32 $0xFFFFFEF7, lr;
	s5 =	simm.s32 $0xFFFFFFFF;
	p2 =	slt.u32 s8, $0xFFFFF086  }
0x1c: {  	p1 =	slt.u32 s9, $0xF7A;
	s5 =	simm.s32 @!p2 $0x0  }
0x1d: {  	s5 =	simm.s32 @p1 $0x1;
	p0 =	seq.s32 s7, s2  }
0x1e: {  	s7 =	smul.u32 @!p0 $0xF7A, s2;
	p2 =	seq.s32 @!p0 s5, $0x0  }
0x1f: {  	s9 =	smul.u32 $0xF7A, s1;
	s8 =	simm.s32 @!p0 $0x1BF5;
	p2 =	por !p2, p0  }
0x20: {  	[sflag:s8] =	ssyncset.s32 @!p0 $0xFFFFF086;
	s6 =	sadd.s32 @!p0 s3, s7;
	s7 =	simm.s32 @!p0 $0x108  }
0x21: {  	s3 =	sadd.s32 s3, s9;
	s6 =	sadd.s32 @!p0 $0x88, s6;
	s7 =	simm.s32 @p2 $0x1082  }
0x22: {  	[simem:s7], [sflag:s8] =	dma.local @!p0 [hbm:s6], $0xF7A  }
0x23: {  	s9 =	sor.u32 $0xD0000000, s2;
	s6 =	simm.s32 $0x108;
	_ =	swait.ge @!p0 [sflag:s8], $0x0  }
0x24: {  	s3 =	sadd.s32 $0x88, s3;
	s6 =	simm.s32 @!p1 $0x1082;
	[sflag:s4] =	ssyncset.s32 $0xFFFFF086  }
0x25: {  	[simem:s6], [sflag:s4] =	dma.local [hbm:s3], $0xF7A  }
0x26: {  	[smem:$0x3F9A] =	sst s1;
	(tag) =	ssettag s2;
	_ =	strace s9  }
0x27: {  	s1 =	sld [smem:$0x3FAA]  }
0x28: {  	s2 =	sld [smem:$0x3FAB]  }
0x29: {  	s4 =	sld [smem:$0x3FAD]  }
0x2a: {  	p0 =	seq.s32 s5, $0x0;
	s5 =	sld [smem:$0x3FAE]  }
0x2b: {  	s6 =	sld [smem:$0x3FAF]  }
0x2c: {  	s7 =	sld [smem:$0x3FB0]  }
0x2d: {  	s3 =	simm.s32 $0x108;
	s8 =	sld [smem:$0x3FB1]  }
0x2e: {  	s3 =	simm.s32 @!p0 $0x1082;
	s9 =	sld [smem:$0x3FB2]  }
0x2f: {  	lr =	sadd.s32 s0, s3;
	s0 =	sld [smem:$0x3FA9]  }
0x30: {  	s3 =	sld [smem:$0x3FAC]  }
0x31: {  	[smem:$0x3FB5] =	sst s10  }
0x32: {  	s10 =	sld [smem:$0x3FB3];
	_ =	sdelay $0x3  }
0x33: {  	p0 =	seq.s32 s10, $0x1;
	s10 =	sld [smem:$0x3FB5];
	_ =	sdelay $0x3  }
0x34: {  	[smem:$0x3FB5] =	sst s10  }
0x35: {  	s10 =	sld [smem:$0x3FB4];
	_ =	sdelay $0x3  }
0x36: {  	p1 =	seq.s32 s10, $0x1;
	s10 =	sld [smem:$0x3FB5];
	_ =	sdelay $0x3  }
0x37: {  	[smem:$0x3FB5] =	sst s10  }
0x38: {  	s10 =	sld [smem:$0x3FB6]  }
0x39: {  	_ = 	snop;
	(pc) =	sbr.ind lr, $3  }
0x3a: {  	_ = 	snop  }
0x3b: {  	_ = 	snop  }
0x3c: {  	p2 =	seq.s32 s10, $0x1;
	s10 =	sld [smem:$0x3FB5]  }
0x3d: {  	_ =	shalt  }
0x3e: {  	_ =	shalt  }
0x3f: {  	_ =	shalt  }
0x40: {  	_ =	shalt  }
0x41: {  	_ =	shalt  }
0x42: {  	_ =	shalt  }
0x43: {  	_ =	shalt  }
0x44: {  	_ =	shalt  }
0x45: {  	_ =	shalt  }
0x46: {  	_ =	shalt  }
0x47: {  	_ =	shalt  }
0x48: {  	_ =	shalt  }
0x49: {  	_ =	shalt  }
0x4a: {  	_ =	shalt  }
0x4b: {  	_ =	shalt  }
0x4c: {  	_ =	shalt  }
0x4d: {  	_ =	shalt  }
0x4e: {  	_ =	shalt  }
0x4f: {  	_ =	shalt  }
0x50: {  	_ =	shalt  }
0x51: {  	_ =	shalt  }
0x52: {  	_ =	shalt  }
0x53: {  	_ =	shalt  }
0x54: {  	_ =	shalt  }
0x55: {  	_ =	shalt  }
0x56: {  	_ =	shalt  }
0x57: {  	_ =	shalt  }
0x58: {  	_ =	shalt  }
0x59: {  	_ =	shalt  }
0x5a: {  	_ =	shalt  }
0x5b: {  	_ =	shalt  }
0x5c: {  	_ =	shalt  }
0x5d: {  	_ =	shalt  }
0x5e: {  	_ =	shalt  }
0x5f: {  	_ =	shalt  }
0x60: {  	_ =	shalt  }
0x61: {  	_ =	shalt  }
0x62: {  	_ =	shalt  }
0x63: {  	_ =	shalt  }
0x64: {  	_ =	shalt  }
0x65: {  	_ =	shalt  }
0x66: {  	_ =	shalt  }
0x67: {  	_ =	shalt  }
0x68: {  	_ =	shalt  }
0x69: {  	_ =	shalt  }
0x6a: {  	_ =	shalt  }
0x6b: {  	_ =	shalt  }
0x6c: {  	_ =	shalt  }
0x6d: {  	_ =	shalt  }
0x6e: {  	_ =	shalt  }
0x6f: {  	_ =	shalt  }
0x70: {  	_ =	shalt  }
0x71: {  	_ =	shalt  }
0x72: {  	_ =	shalt  }
0x73: {  	_ =	shalt  }
0x74: {  	_ =	shalt  }
0x75: {  	_ =	shalt  }
0x76: {  	_ =	shalt  }
0x77: {  	_ =	shalt  }
0x78: {  	_ =	shalt  }
0x79: {  	_ =	shalt  }
0x7a: {  	_ =	shalt  }
0x7b: {  	_ =	shalt  }
0x7c: {  	_ =	shalt  }
0x7d: {  	_ =	shalt  }
0x7e: {  	_ =	shalt  }
0x7f: {  	_ =	shalt  }
0x80: {  	_ =	shalt  }
0x81: {  	_ =	shalt  }
0x82: {  	_ =	shalt  }
0x83: {  	_ =	shalt  }
0x84: {  	_ =	shalt  }
0x85: {  	_ =	shalt  }
0x86: {  	_ =	shalt  }
0x87: {  	_ =	shalt  }
.Lfunc_end0:
.L_simem_size_0:
called_computation_lowered:
.L_overlay_start_0:
0x88: {  	s2 =	sld [smem:$0x3FD9]  }
0x89: {  	s3 =	sld [smem:$0x3FFE];
	_ =	sdelay $0x1  }
0x8a: {  	s1 =	srdreg.scid  }
0x8b: {  	s0 =	sand.u32 $0x1, s1  }
0x8c: {  	s17 =	sshll.u32 s0, $0xA;
	s2 =	sadd.s32 s3, s2  }
0x8d: {  	s2 =	sadd.s32 s2, s17  }
0x8e: {  	[smem:$0x3FC1] =	sst s2  }
0x8f: {  	_ = 	snop  }
0x90: {  	s2 =	sld [smem:$0x3FD0];
	(tm) =	ssettm $0x1  }
0x91: {  	s18 =	sld [smem:$0x3FFB];
	_ =	sdelay $0x3  }
0x92: {  	_ =	strace s18  }
0x93: {  	s3 =	sld [smem:$0x3FFC];
	_ =	sdelay $0x3  }
0x94: {  	_ =	strace s3  }
0x95: {  	s3 =	sld [smem:$0x3FFD];
	_ =	sdelay $0x3  }
0x96: {  	_ =	strace s3  }
0x97: {  	_ =	strace $0x8FFFFFFF  }
0x98: {  	s19 =	sld [smem:$0x3FDB];
	_ =	sdelay $0x1  }
0x99: {  	s4 =	simm.s32 $_scs_section_size  }
0x9a: {  	s5 =	simm.s32 $_size__tile_overlayer_lowered;
	s6 =	simm.s32 $_tile_overlayer_lowered  }
0x9b: {  	s22 =	simm.s32 $0x1BFF;
	s21 =	sshll.u32 s6, $0x1;
	s3 =	sadd.s32 s4, s19  }
0x9c: {  	s7 =	simm.s32 $0x0;
	s20 =	sshll.u32 s5, $0x1;
	s5 =	sadd.s32 s21, s3  }
0x9d: {  	[timem:s7], [sflag:s22] =	dma.local [hbm:s5], s20  }
0x9e: {  	_ =	swait.ge [sflag:s22], s20  }
0x9f: {  	s4 =	ssub.s32 $0x0, s20;
	[sflag:s22] =	ssyncset.done $0x0  }
0xa0: {  	[sflag:s22] =	ssyncadd.s32 s4;
	_ =	sdelay $0x1  }
0xa1: {  	s23 =	simm.s32 $0x1B8B  }
0xa2: {  	_ =	swait.ge [sflag:s23], $0x1  }
0xa3: {  	[sflag:s23] =	ssyncset.done $0x0  }
0xa4: {  	s25 =	simm.s32 $0x1B8E;
	s24 =	sld [smem:$0x3FFE];
	[sflag:s23] =	ssyncadd.s32 $0xFFFFFFFF  }
0xa5: {  	s26 =	simm.s32 $execute0_lowered;
	[smem:$0x3FD2] =	sst s25  }
0xa6: {  	s5 =	sshll.u32 s26, $0x1;
	_ =	strace $0x80000046;
	[dreg:$0x1] =	wrdreg $0xFFFFFFFF  }
0xa7: {  	s28 =	simm.s32 $_size_execute0_lowered;
	s3 =	sadd.s32 s3, s5;
	[dreg:$0x0] =	wrdreg $0x0  }
0xa8: {  	s5 =	sshll.u32 s28, $0x1;
	[dreg:$0x2] =	wrdreg s3  }
0xa9: {  	[dreg:$0x3] =	wrdreg s5  }
0xaa: {  	[dreg:$0x4] =	wrdreg $0xC0  }
0xab: {  	_ =	task [dreg:s7], $0x5FFFF  }
0xac: {  	[dreg:$0x1] =	wrdreg $0xFFFFFFFF  }
0xad: {  	[dreg:$0x0] =	wrdreg $0x60  }
0xae: {  	[dreg:$0x2] =	wrdreg s2  }
0xaf: {  	[dreg:$0x3] =	wrdreg s24  }
0xb0: {  	[dreg:$0x4] =	wrdreg $0x9  }
0xb1: {  	_ =	task.clear_ibuf [dreg:s7], $0x5FFFF;
	_ =	strace $0x90000046  }
0xb2: {  	s29 =	simm.s32 $0x9;
	_ =	strace $0x80000048  }
0xb3: {  	_ =	swait.ge [sflag:s29], $0x1  }
0xb4: {  	[sflag:s29] =	ssyncadd.s32 $0xFFFFFFFF  }
0xb5: {  	_ =	strace $0x90000048  }
0xb6: {  	_ =	sfence  }
0xb7: {  	s30 =	sld [smem:$0x0];
	_ =	sdelay $0x2  }
0xb8: {  	s31 =	sshll.u32 s1, $0xD;
	s1 =	sshrl.u32 s1, $0x2  }
0xb9: {  	s3 =	sand.u32 $0x4000, s31;
	s1 =	sadd.s32 s1, s30  }
0xba: {  	s0 =	sor.u32 s3, s0;
	s1 =	sshll.u32 s1, $0x11  }
0xbb: {  	s0 =	sor.u32 s1, s0  }
0xbc: {  	s0 =	sadd.s32 $0x8F2B, s0  }
0xbd: {  	[sflag:s0] =	ssyncadd.remote.s32 $0x1  }
0xbe: {  	_ =	sfence.sel $0xFFFF  }
0xbf: {  	[dreg:$0x0] =	wrdreg $0xFFFFFFFF;
	(pc) =	sbr.abs _section_cstart, $3  }
0xc0: {  	[dreg:$0x1] =	wrdreg $0xFFFFFFFF  }
0xc1: {  	_ =	task.clear_ibuf [dreg:s7], $0x2FFFF;
	_ =	strace $0x9FFFFFFF  }
0xc2: {  	(tm) =	ssettm $0x7FFFFFFF  }
0xc3: {  	_ =	shalt  }
tec
execute0_lowered:
.L_overlay_start_1:
0x0: {  	(tag) =	ssettag $0x1  }
0x1: {  	s3 =	rddreg [dreg:$0x0]  }
0x2: {  	s4 =	rddreg [dreg:$0x1]  }
0x3: {  	s0 =	rddreg [dreg:$0x2];
	s5 =	srdreg.scid  }
0x4: {  	s2 =	simm.s32 $0x0;
	s1 =	stileid.u32;
	s8 =	simm.s32 $0x0  }
0x5: {  	s5 =	sand.u32 $0x1, s5;
	s6 =	sshll.u32 s1, $0x9;
	[smem:$0x7FF] =	sst s2  }
0x6: {  	s7 =	sshll.u32 s5, $0x8;
	s5 =	ssub.s32 $0x2, s5;
	_ =	strace $0x80000047  }
0x7: {  	s6 =	sor.u32 s7, s6;
	s31 =	sshrl.u32 s5, $0x1;
	s7 =	simm.s32 $0x800  }
0x8: {  	s4 =	sadd.s32 s6, s4;
	s5 =	ssub.s32 s5, s31;
	s3 =	sadd.s32 s3, s6  }
0x9: {  	v0 =	vlaneseq.u32;
	v1 =	vimm.f32 $0.0e+00;
	s6 =	simm.s32 $0x1;
	s4 =	sadd.s32 $0xE00, s4;
	s5 =	smax.u32 s5, $0x1  }
.LBB2_1:
0xa: {  	[tilespmem:s2], [sflag:$0x1] =	stream.linear.gather [hbm4b:s3+s2], $0x800, $0x38;
	[tilespmem:$0x1000] =	vst v63  }
0xb: {  	_ =	swait.ge [sflag:s6], $0x800  }
0xc: {  	[sflag:s6] =	ssyncset.done $0x0  }
0xd: {  	[sflag:s6] =	ssyncadd.s32 $0xFFFFF800  }
0xe: {  	v2 =	vld [tilespmem:s2+$0x0];
	_ =	sdelay $0x4  }
0xf: {  	(xrf1) =	vsort.dscd.msk.f32 $0xffff, v2, v0;
	_ =	sdelay $0xd  }
0x10: {  	v2, v3, _ =	vpop (xrf1)  }
0x11: {  	v3 =	vadd.s32 s2, v3;
	_ =	sdelay $0x3  }
0x12: {  	[tilespmem:s7+$0x0] =	vst v1  }
0x13: {  	s9 =	simm.s32 $0x10;
	[tilespmem:v3+s7+$0x0] =	vst.idx.msk $0x7, v2  }
0x14: {  	s11 =	simm.s32 $0x20;
	s10 =	simm.s32 $0x800;
	s12 =	simm.s32 $0x10;
	v2 =	vld [tilespmem:s9+$0x0]  }
.LBB2_2:
0x15: {  	p0 =	sne.s32 s11, $0x7F0;
	_ =	sdelay $0x3  }
0x16: {  	(xrf1) =	vsort.dscd.msk.f32 $0xffff, v2, v0;
	_ =	sdelay $0xd  }
0x17: {  	v2, v3, _ =	vpop (xrf1)  }
0x18: {  	v3 =	vadd.s32 s9, v3;
	s9 =	smov.u32 s11;
	_ =	sdelay $0x1  }
.Ltmp0:
0x19: {  	(pc) =	sbr.rel @p0 .LBB2_2-.Ltmp0, $4  }
0x1a: {  	s10 =	sadd.s32 $0x10, s10  }
0x1b: {  	[tilespmem:s10+$0x0] =	vst v1  }
0x1c: {  	s12 =	sadd.s32 $0x10, s12;
	[tilespmem:v3+s7+$0x0] =	vst.idx.msk $0x7, v2  }
0x1d: {  	s11 =	sadd.s32 $0x10, s11;
	v2 =	vld [tilespmem:s12+$0x0]  }
0x1e: {  	_ =	sdelay $0x3  }
0x1f: {  	(xrf1) =	vsort.dscd.msk.f32 $0xffff, v2, v0;
	_ =	sdelay $0xd  }
0x20: {  	v2, v3, _ =	vpop (xrf1)  }
0x21: {  	v3 =	vadd.s32 s9, v3;
	_ =	sdelay $0x2  }
0x22: {  	s31 =	sadd.s32 $0x10, s10;
	s8 =	sadd.s32 $0x1, s8  }
0x23: {  	[tilespmem:s31+$0x0] =	vst v1;
	p0 =	sne.s32 s8, s5  }
.Ltmp1:
0x24: {  	[tilespmem:v3+s7+$0x0] =	vst.idx.msk $0x7, v2;
	(pc) =	sbr.rel @p0 .LBB2_1-.Ltmp1, $4  }
0x25: {  	[hbm4b:s4+s2] =	stream.linear.scatter [tilespmem:s7], [sflag:$0x1], $0x800, $0x38;
	[tilespmem:$0x1000] =	vst v63  }
0x26: {  	_ =	swait.ge [sflag:s6], $0x800  }
0x27: {  	[sflag:s6] =	ssyncset.done $0x0  }
0x28: {  	[sflag:s6] =	ssyncadd.s32 $0xFFFFF800  }
0x29: {  	_ =	sfence.sel $0x180000  }
0x2a: {  	[bflag:$0x0] =	sbarrier.arrive $0xFFFF  }
0x2b: {  	p0 =	sne.s32 s1, $0x0;
	_ =	strace $0x90000047  }
0x2c: {  	s0 =	sadd.s32 @!p0 $0x100000, s0;
	[bflag:$0x2] =	sbarrier.arrive $0xFFFF  }
0x2d: {  	[sflag:s0] =	ssyncadd.tile.s32 @!p0 $0x1;
	_ =	shalt  }
.Lfunc_end2:
_tile_overlayer_lowered:
.L_overlay_start_2:
0x2e: {  	(tag) =	ssettag $0x2  }
0x2f: {  	s0 =	rddreg [dreg:$0x0];
	s2 =	stileid.u32  }
0x30: {  	s1 =	rddreg [dreg:$0x1];
	p0 =	sne.s32 s2, $0x0  }
0x31: {  	s3 =	rddreg [dreg:$0x2];
	[bflag:$0x3] =	sbarrier.arrive $0xFFFF;
	s2 =	simm.s32 @!p0 $0x1C01  }
0x32: {  	[timem:s3], [sflag:s2] =	dma.local @!p0 [hbm:s0], s1  }
0x33: {  	s0 =	simm.s32 @!p0 $0x1  }
0x34: {  	_ =	swait.ge @!p0 [sflag:s0], s1  }
0x35: {  	s1 =	ssub.s32 @!p0 $0x0, s1;
	[sflag:s0] =	ssyncset.done @!p0 $0x0  }
0x36: {  	[sflag:s0] =	ssyncadd.s32 @!p0 s1  }
0x37: {  	[bflag:$0x3] =	sbarrier.arrive $0xFFFF  }
0x38: {  	_ =	shalt  }

</sc_bundles>
